<compile_context>
chip_gen: v7x
topology: tpu7x:2x2x1
jax: 0.10.2.dev20260603
libtpu: 0.0.44.dev20260713+nightly
codegen_flags: <defaults>
</compile_context>

<pallas_src>
import functools
import jax
import jax.numpy as jnp
from jax import lax
from jax.experimental import pallas as pl
from jax.experimental.pallas import tpu as pltpu
from jax.experimental.pallas import tpu_sc as plsc

MAX_SIZE = 1000
FSPLIT = 20


def _tc_block(x_ref, o_ref):
    F = o_ref.shape[0]
    xv = x_ref[0]
    shape = (F, MAX_SIZE // 8, 1, 8, 128)
    v = lax.broadcasted_iota(jnp.int32, shape, 1) * 8 + lax.broadcasted_iota(
        jnp.int32, shape, 3
    )
    fi = lax.broadcasted_iota(jnp.int32, shape, 0)
    hit = (xv[:, None, None, None, :] == v) & (fi < FSPLIT)
    o_ref[...] = hit.astype(jnp.float32)


def kernel(x):
    B, F = x.shape
    nc, ns = 2, 16
    nw = nc * ns
    total = B * F * MAX_SIZE
    nbt = B // 128
    f_sc = F - FSPLIT

    xs = x[:, FSPLIT:]
    bi = jnp.arange(B, dtype=jnp.int32)[:, None]
    fi = jnp.arange(FSPLIT, F, dtype=jnp.int32)[None, :]
    addr = (
        ((fi * (MAX_SIZE // 8) + xs // 8) * (B // 128) + bi // 128) * 1024
        + (xs % 8) * 128
        + (bi % 128)
    )
    idx = addr.reshape(nw, 128, f_sc).transpose(0, 2, 1)

    x3 = x.reshape(nbt, 128, F).transpose(0, 2, 1)
    dense = pl.pallas_call(
        _tc_block,
        grid=(nbt,),
        in_specs=[pl.BlockSpec((1, F, 128), lambda i: (i, 0, 0))],
        out_specs=pl.BlockSpec(
            (F, MAX_SIZE // 8, 1, 8, 128), lambda i: (0, 0, i, 0, 0)
        ),
        out_shape=jax.ShapeDtypeStruct(
            (F, MAX_SIZE // 8, nbt, 8, 128), jnp.float32
        ),
    )(x3)

    mesh = plsc.VectorSubcoreMesh(
        core_axis_name="c", subcore_axis_name="s", num_cores=nc, num_subcores=ns
    )

    @functools.partial(
        pl.kernel,
        mesh=mesh,
        compiler_params=pltpu.CompilerParams(
            needs_layout_passes=False, use_tc_tiling_on_sc=False
        ),
        scratch_types=[
            pltpu.VMEM((128,), jnp.float32),
            pltpu.VMEM((f_sc, 128), jnp.int32),
            pltpu.SemaphoreType.DMA,
        ],
    )
    def scatter_ones(idx_hbm, out_ref, ones_v, idx_v, ssem):
        c = lax.axis_index("c")
        s = lax.axis_index("s")
        wid = c * ns + s
        pltpu.sync_copy(idx_hbm.at[wid], idx_v)
        ones16 = jnp.ones((16,), jnp.float32)
        for j in range(128 // 16):
            ones_v[pl.ds(j * 16, 16)] = ones16
        for j in range(f_sc):
            pltpu.async_copy(ones_v, out_ref.at[idx_v.at[j]], ssem)
        for j in range(f_sc):
            pltpu.make_async_copy(ones_v, out_ref.at[idx_v.at[0]], ssem).wait()

    out_ref = jax.new_ref(dense.reshape(total))
    scatter_ones(idx, out_ref)
    p = out_ref[...]
    return (
        p.reshape(F, MAX_SIZE // 8, B // 128, 8, 128)
        .transpose(2, 4, 0, 1, 3)
        .reshape(B, F, MAX_SIZE)
    )

# --- scband reference (transcript-rebuilt; emitter-appended) ---
"""Pipeline reference for scband-one-hot-encoding-51419348468087 (READ-ONLY COPY).

The authoritative reference and input builder live on the scoring server;
editing this copy changes nothing except your own understanding.
"""

import jax, jax.numpy as jnp
import numpy as np

MAXSIZE = 1000


def setup_inputs(seed: int = 0) -> dict:
    key = jax.random.key(seed)
    x = jax.random.randint(key, (4096, 26), 0, MAXSIZE, dtype=jnp.int64 if jax.config.read('jax_enable_x64') else jnp.int32)
    return {"x": x}


def reference(x):
    # result = zeros(*x.shape, maxSize); result.scatter_(-1, x.unsqueeze(-1), 1.0)
    B, F = x.shape
    result = jnp.zeros((B, F, MAXSIZE), dtype=jnp.float32)
    bi = jnp.arange(B)[:, None]
    fi = jnp.arange(F)[None, :]
    result = result.at[bi, fi, x].set(1.0)
    return result

if __name__ == "__main__":
    import jax
    _d = setup_inputs()
    print(jax.jit(kernel)(*tuple(_d.values())))

</pallas_src>

<mosaic_0001>
#map = affine_map<(d0, d1) -> (0, 0, 0)>
#map1 = affine_map<(d0, d1) -> (0)>
module attributes {stable_mosaic.version = 14 : i64} {
  func.func @new_body(%arg0: i32, %arg1: i32, %arg2: memref<32x6x128xi32, #tpu.memory_space<hbm>>, %arg3: memref<106496000xf32, #tpu.memory_space<hbm>>, %arg4: memref<106496000xf32, #tpu.memory_space<hbm>>, %arg5: memref<128xf32, #tpu.memory_space<vmem>>, %arg6: memref<6x128xi32, #tpu.memory_space<vmem>>, %arg7: memref<!tpu.dma_semaphore, #tpu.memory_space<semaphore_mem>>) attributes {dimension_semantics = [#tpu.dimension_semantics<core_parallel>, #tpu.dimension_semantics<subcore_parallel>], iteration_bounds = array<i64: 2, 16>, scalar_prefetch = 0 : i64, scratch_operands = 3 : i64, tpu.core_type = #tpu.core_type<sc_vector_subcore>, window_params = [{transform_indices = #map}, {transform_indices = #map1}, {transform_indices = #map1}]} {
    %mul3A = arith.constant 16 : i32
    %mul3A_0 = arith.muli %arg0, %mul3A : i32
    %add3A = arith.addi %mul3A_0, %arg1 : i32
    "tpu.region"() ({
      %run_scoped3A = tpu.sem_alloc : memref<!tpu.dma_semaphore, #tpu.memory_space<semaphore_mem>>
      %dma_start3A_87 = arith.constant 0 : i32
      %dma_start3A_88 = arith.constant 0 : i32
      %dma_start3A_89 = tpu.memref_slice %arg2[%add3A, %dma_start3A_87, %dma_start3A_88] : memref<32x6x128xi32, #tpu.memory_space<hbm>> -> memref<1x6x128xi32, #tpu.memory_space<hbm>>
      %dma_start3A_90 = tpu.memref_squeeze %dma_start3A_89 : memref<1x6x128xi32, #tpu.memory_space<hbm>> -> memref<6x128xi32, #tpu.memory_space<hbm>>
      %dma_start3A_91 = arith.constant 0 : i32
      %dma_start3A_92 = arith.constant 0 : i32
      %dma_start3A_93 = tpu.memref_slice %arg2[%add3A, %dma_start3A_91, %dma_start3A_92] : memref<32x6x128xi32, #tpu.memory_space<hbm>> -> memref<1x6x128xi32, #tpu.memory_space<hbm>>
      %dma_start3A_94 = tpu.memref_squeeze %dma_start3A_93 : memref<1x6x128xi32, #tpu.memory_space<hbm>> -> memref<6x128xi32, #tpu.memory_space<hbm>>
      tpu.enqueue_dma source(%dma_start3A_94 : memref<6x128xi32, #tpu.memory_space<hbm>>) target(%arg6 : memref<6x128xi32, #tpu.memory_space<vmem>>) target_semaphore(%run_scoped3A : memref<!tpu.dma_semaphore, #tpu.memory_space<semaphore_mem>>)
      %dma_wait3A_95 = arith.constant 0 : i32
      %dma_wait3A_96 = arith.constant 0 : i32
      %dma_wait3A_97 = tpu.memref_slice %arg2[%add3A, %dma_wait3A_95, %dma_wait3A_96] : memref<32x6x128xi32, #tpu.memory_space<hbm>> -> memref<1x6x128xi32, #tpu.memory_space<hbm>>
      %dma_wait3A_98 = tpu.memref_squeeze %dma_wait3A_97 : memref<1x6x128xi32, #tpu.memory_space<hbm>> -> memref<6x128xi32, #tpu.memory_space<hbm>>
      %dma_wait3A_99 = arith.constant 0 : i32
      %dma_wait3A_100 = arith.constant 0 : i32
      %dma_wait3A_101 = tpu.memref_slice %arg2[%add3A, %dma_wait3A_99, %dma_wait3A_100] : memref<32x6x128xi32, #tpu.memory_space<hbm>> -> memref<1x6x128xi32, #tpu.memory_space<hbm>>
      %dma_wait3A_102 = tpu.memref_squeeze %dma_wait3A_101 : memref<1x6x128xi32, #tpu.memory_space<hbm>> -> memref<6x128xi32, #tpu.memory_space<hbm>>
      tpu.wait_dma2 semaphore(%run_scoped3A : memref<!tpu.dma_semaphore, #tpu.memory_space<semaphore_mem>>) src(%dma_wait3A_102 : memref<6x128xi32, #tpu.memory_space<hbm>>) dst(%arg6 : memref<6x128xi32, #tpu.memory_space<vmem>>)
      tpu.yield
    }) : () -> ()
    %broadcast_in_dim3A = arith.constant 1.000000e+00 : f32
    %broadcast_in_dim3A_1 = vector.broadcast %broadcast_in_dim3A : f32 to vector<16xf32>
    %swap3A = arith.constant 0 : index
    %swap3A_2 = tpu.vector_load %arg5[%swap3A] {strides = array<i32>} : memref<128xf32, #tpu.memory_space<vmem>>, vector<16xf32>,
    tpu.vector_store %arg5[%swap3A], %broadcast_in_dim3A_1 {strides = array<i32>} : memref<128xf32, #tpu.memory_space<vmem>>, vector<16xf32>,
    %swap3A_3 = arith.constant 16 : index
    %swap3A_4 = tpu.vector_load %arg5[%swap3A_3] {strides = array<i32>} : memref<128xf32, #tpu.memory_space<vmem>>, vector<16xf32>,
    tpu.vector_store %arg5[%swap3A_3], %broadcast_in_dim3A_1 {strides = array<i32>} : memref<128xf32, #tpu.memory_space<vmem>>, vector<16xf32>,
    %swap3A_5 = arith.constant 32 : index
    %swap3A_6 = tpu.vector_load %arg5[%swap3A_5] {strides = array<i32>} : memref<128xf32, #tpu.memory_space<vmem>>, vector<16xf32>,
    tpu.vector_store %arg5[%swap3A_5], %broadcast_in_dim3A_1 {strides = array<i32>} : memref<128xf32, #tpu.memory_space<vmem>>, vector<16xf32>,
    %swap3A_7 = arith.constant 48 : index
    %swap3A_8 = tpu.vector_load %arg5[%swap3A_7] {strides = array<i32>} : memref<128xf32, #tpu.memory_space<vmem>>, vector<16xf32>,
    tpu.vector_store %arg5[%swap3A_7], %broadcast_in_dim3A_1 {strides = array<i32>} : memref<128xf32, #tpu.memory_space<vmem>>, vector<16xf32>,
    %swap3A_9 = arith.constant 64 : index
    %swap3A_10 = tpu.vector_load %arg5[%swap3A_9] {strides = array<i32>} : memref<128xf32, #tpu.memory_space<vmem>>, vector<16xf32>,
    tpu.vector_store %arg5[%swap3A_9], %broadcast_in_dim3A_1 {strides = array<i32>} : memref<128xf32, #tpu.memory_space<vmem>>, vector<16xf32>,
    %swap3A_11 = arith.constant 80 : index
    %swap3A_12 = tpu.vector_load %arg5[%swap3A_11] {strides = array<i32>} : memref<128xf32, #tpu.memory_space<vmem>>, vector<16xf32>,
    tpu.vector_store %arg5[%swap3A_11], %broadcast_in_dim3A_1 {strides = array<i32>} : memref<128xf32, #tpu.memory_space<vmem>>, vector<16xf32>,
    %swap3A_13 = arith.constant 96 : index
    %swap3A_14 = tpu.vector_load %arg5[%swap3A_13] {strides = array<i32>} : memref<128xf32, #tpu.memory_space<vmem>>, vector<16xf32>,
    tpu.vector_store %arg5[%swap3A_13], %broadcast_in_dim3A_1 {strides = array<i32>} : memref<128xf32, #tpu.memory_space<vmem>>, vector<16xf32>,
    %swap3A_15 = arith.constant 112 : index
    %swap3A_16 = tpu.vector_load %arg5[%swap3A_15] {strides = array<i32>} : memref<128xf32, #tpu.memory_space<vmem>>, vector<16xf32>,
    tpu.vector_store %arg5[%swap3A_15], %broadcast_in_dim3A_1 {strides = array<i32>} : memref<128xf32, #tpu.memory_space<vmem>>, vector<16xf32>,
    %dma_start3A = arith.constant 0 : i32
    %dma_start3A_17 = arith.constant 0 : i32
    %dma_start3A_18 = tpu.memref_slice %arg6[%dma_start3A, %dma_start3A_17] : memref<6x128xi32, #tpu.memory_space<vmem>> -> memref<1x128xi32, #tpu.memory_space<vmem>>
    %dma_start3A_19 = tpu.memref_squeeze %dma_start3A_18 : memref<1x128xi32, #tpu.memory_space<vmem>> -> memref<128xi32, #tpu.memory_space<vmem>>
    %dma_start3A_20 = arith.constant 0 : i32
    %dma_start3A_21 = tpu.memref_slice %arg3[%dma_start3A_20] : memref<106496000xf32, #tpu.memory_space<hbm>> -> memref<106496000xf32, #tpu.memory_space<hbm>>
    tpu.enqueue_indirect_dma source(%arg5 : memref<128xf32, #tpu.memory_space<vmem>>) target(%dma_start3A_21 : memref<106496000xf32, #tpu.memory_space<hbm>>) offsets(%dma_start3A_19 : memref<128xi32, #tpu.memory_space<vmem>>) semaphore(%arg7 : memref<!tpu.dma_semaphore, #tpu.memory_space<semaphore_mem>>)
    %dma_start3A_22 = arith.constant 1 : i32
    %dma_start3A_23 = arith.constant 0 : i32
    %dma_start3A_24 = tpu.memref_slice %arg6[%dma_start3A_22, %dma_start3A_23] : memref<6x128xi32, #tpu.memory_space<vmem>> -> memref<1x128xi32, #tpu.memory_space<vmem>>
    %dma_start3A_25 = tpu.memref_squeeze %dma_start3A_24 : memref<1x128xi32, #tpu.memory_space<vmem>> -> memref<128xi32, #tpu.memory_space<vmem>>
    %dma_start3A_26 = arith.constant 0 : i32
    %dma_start3A_27 = tpu.memref_slice %arg3[%dma_start3A_26] : memref<106496000xf32, #tpu.memory_space<hbm>> -> memref<106496000xf32, #tpu.memory_space<hbm>>
    tpu.enqueue_indirect_dma source(%arg5 : memref<128xf32, #tpu.memory_space<vmem>>) target(%dma_start3A_27 : memref<106496000xf32, #tpu.memory_space<hbm>>) offsets(%dma_start3A_25 : memref<128xi32, #tpu.memory_space<vmem>>) semaphore(%arg7 : memref<!tpu.dma_semaphore, #tpu.memory_space<semaphore_mem>>)
    %dma_start3A_28 = arith.constant 2 : i32
    %dma_start3A_29 = arith.constant 0 : i32
    %dma_start3A_30 = tpu.memref_slice %arg6[%dma_start3A_28, %dma_start3A_29] : memref<6x128xi32, #tpu.memory_space<vmem>> -> memref<1x128xi32, #tpu.memory_space<vmem>>
    %dma_start3A_31 = tpu.memref_squeeze %dma_start3A_30 : memref<1x128xi32, #tpu.memory_space<vmem>> -> memref<128xi32, #tpu.memory_space<vmem>>
    %dma_start3A_32 = arith.constant 0 : i32
    %dma_start3A_33 = tpu.memref_slice %arg3[%dma_start3A_32] : memref<106496000xf32, #tpu.memory_space<hbm>> -> memref<106496000xf32, #tpu.memory_space<hbm>>
    tpu.enqueue_indirect_dma source(%arg5 : memref<128xf32, #tpu.memory_space<vmem>>) target(%dma_start3A_33 : memref<106496000xf32, #tpu.memory_space<hbm>>) offsets(%dma_start3A_31 : memref<128xi32, #tpu.memory_space<vmem>>) semaphore(%arg7 : memref<!tpu.dma_semaphore, #tpu.memory_space<semaphore_mem>>)
    %dma_start3A_34 = arith.constant 3 : i32
    %dma_start3A_35 = arith.constant 0 : i32
    %dma_start3A_36 = tpu.memref_slice %arg6[%dma_start3A_34, %dma_start3A_35] : memref<6x128xi32, #tpu.memory_space<vmem>> -> memref<1x128xi32, #tpu.memory_space<vmem>>
    %dma_start3A_37 = tpu.memref_squeeze %dma_start3A_36 : memref<1x128xi32, #tpu.memory_space<vmem>> -> memref<128xi32, #tpu.memory_space<vmem>>
    %dma_start3A_38 = arith.constant 0 : i32
    %dma_start3A_39 = tpu.memref_slice %arg3[%dma_start3A_38] : memref<106496000xf32, #tpu.memory_space<hbm>> -> memref<106496000xf32, #tpu.memory_space<hbm>>
    tpu.enqueue_indirect_dma source(%arg5 : memref<128xf32, #tpu.memory_space<vmem>>) target(%dma_start3A_39 : memref<106496000xf32, #tpu.memory_space<hbm>>) offsets(%dma_start3A_37 : memref<128xi32, #tpu.memory_space<vmem>>) semaphore(%arg7 : memref<!tpu.dma_semaphore, #tpu.memory_space<semaphore_mem>>)
    %dma_start3A_40 = arith.constant 4 : i32
    %dma_start3A_41 = arith.constant 0 : i32
    %dma_start3A_42 = tpu.memref_slice %arg6[%dma_start3A_40, %dma_start3A_41] : memref<6x128xi32, #tpu.memory_space<vmem>> -> memref<1x128xi32, #tpu.memory_space<vmem>>
    %dma_start3A_43 = tpu.memref_squeeze %dma_start3A_42 : memref<1x128xi32, #tpu.memory_space<vmem>> -> memref<128xi32, #tpu.memory_space<vmem>>
    %dma_start3A_44 = arith.constant 0 : i32
    %dma_start3A_45 = tpu.memref_slice %arg3[%dma_start3A_44] : memref<106496000xf32, #tpu.memory_space<hbm>> -> memref<106496000xf32, #tpu.memory_space<hbm>>
    tpu.enqueue_indirect_dma source(%arg5 : memref<128xf32, #tpu.memory_space<vmem>>) target(%dma_start3A_45 : memref<106496000xf32, #tpu.memory_space<hbm>>) offsets(%dma_start3A_43 : memref<128xi32, #tpu.memory_space<vmem>>) semaphore(%arg7 : memref<!tpu.dma_semaphore, #tpu.memory_space<semaphore_mem>>)
    %dma_start3A_46 = arith.constant 5 : i32
    %dma_start3A_47 = arith.constant 0 : i32
    %dma_start3A_48 = tpu.memref_slice %arg6[%dma_start3A_46, %dma_start3A_47] : memref<6x128xi32, #tpu.memory_space<vmem>> -> memref<1x128xi32, #tpu.memory_space<vmem>>
    %dma_start3A_49 = tpu.memref_squeeze %dma_start3A_48 : memref<1x128xi32, #tpu.memory_space<vmem>> -> memref<128xi32, #tpu.memory_space<vmem>>
    %dma_start3A_50 = arith.constant 0 : i32
    %dma_start3A_51 = tpu.memref_slice %arg3[%dma_start3A_50] : memref<106496000xf32, #tpu.memory_space<hbm>> -> memref<106496000xf32, #tpu.memory_space<hbm>>
    tpu.enqueue_indirect_dma source(%arg5 : memref<128xf32, #tpu.memory_space<vmem>>) target(%dma_start3A_51 : memref<106496000xf32, #tpu.memory_space<hbm>>) offsets(%dma_start3A_49 : memref<128xi32, #tpu.memory_space<vmem>>) semaphore(%arg7 : memref<!tpu.dma_semaphore, #tpu.memory_space<semaphore_mem>>)
    %dma_wait3A = arith.constant 0 : i32
    %dma_wait3A_52 = arith.constant 0 : i32
    %dma_wait3A_53 = tpu.memref_slice %arg6[%dma_wait3A, %dma_wait3A_52] : memref<6x128xi32, #tpu.memory_space<vmem>> -> memref<1x128xi32, #tpu.memory_space<vmem>>
    %dma_wait3A_54 = tpu.memref_squeeze %dma_wait3A_53 : memref<1x128xi32, #tpu.memory_space<vmem>> -> memref<128xi32, #tpu.memory_space<vmem>>
    %dma_wait3A_55 = arith.constant 0 : i32
    %dma_wait3A_56 = tpu.memref_slice %arg3[%dma_wait3A_55] : memref<106496000xf32, #tpu.memory_space<hbm>> -> memref<106496000xf32, #tpu.memory_space<hbm>>
    tpu.wait_indirect_dma semaphore(%arg7 : memref<!tpu.dma_semaphore, #tpu.memory_space<semaphore_mem>>) src(%arg5 : memref<128xf32, #tpu.memory_space<vmem>>) dst(%dma_wait3A_56 : memref<106496000xf32, #tpu.memory_space<hbm>>)
    %dma_wait3A_57 = arith.constant 0 : i32
    %dma_wait3A_58 = arith.constant 0 : i32
    %dma_wait3A_59 = tpu.memref_slice %arg6[%dma_wait3A_57, %dma_wait3A_58] : memref<6x128xi32, #tpu.memory_space<vmem>> -> memref<1x128xi32, #tpu.memory_space<vmem>>
    %dma_wait3A_60 = tpu.memref_squeeze %dma_wait3A_59 : memref<1x128xi32, #tpu.memory_space<vmem>> -> memref<128xi32, #tpu.memory_space<vmem>>
    %dma_wait3A_61 = arith.constant 0 : i32
    %dma_wait3A_62 = tpu.memref_slice %arg3[%dma_wait3A_61] : memref<106496000xf32, #tpu.memory_space<hbm>> -> memref<106496000xf32, #tpu.memory_space<hbm>>
    tpu.wait_indirect_dma semaphore(%arg7 : memref<!tpu.dma_semaphore, #tpu.memory_space<semaphore_mem>>) src(%arg5 : memref<128xf32, #tpu.memory_space<vmem>>) dst(%dma_wait3A_62 : memref<106496000xf32, #tpu.memory_space<hbm>>)
    %dma_wait3A_63 = arith.constant 0 : i32
    %dma_wait3A_64 = arith.constant 0 : i32
    %dma_wait3A_65 = tpu.memref_slice %arg6[%dma_wait3A_63, %dma_wait3A_64] : memref<6x128xi32, #tpu.memory_space<vmem>> -> memref<1x128xi32, #tpu.memory_space<vmem>>
    %dma_wait3A_66 = tpu.memref_squeeze %dma_wait3A_65 : memref<1x128xi32, #tpu.memory_space<vmem>> -> memref<128xi32, #tpu.memory_space<vmem>>
    %dma_wait3A_67 = arith.constant 0 : i32
    %dma_wait3A_68 = tpu.memref_slice %arg3[%dma_wait3A_67] : memref<106496000xf32, #tpu.memory_space<hbm>> -> memref<106496000xf32, #tpu.memory_space<hbm>>
    tpu.wait_indirect_dma semaphore(%arg7 : memref<!tpu.dma_semaphore, #tpu.memory_space<semaphore_mem>>) src(%arg5 : memref<128xf32, #tpu.memory_space<vmem>>) dst(%dma_wait3A_68 : memref<106496000xf32, #tpu.memory_space<hbm>>)
    %dma_wait3A_69 = arith.constant 0 : i32
    %dma_wait3A_70 = arith.constant 0 : i32
    %dma_wait3A_71 = tpu.memref_slice %arg6[%dma_wait3A_69, %dma_wait3A_70] : memref<6x128xi32, #tpu.memory_space<vmem>> -> memref<1x128xi32, #tpu.memory_space<vmem>>
    %dma_wait3A_72 = tpu.memref_squeeze %dma_wait3A_71 : memref<1x128xi32, #tpu.memory_space<vmem>> -> memref<128xi32, #tpu.memory_space<vmem>>
    %dma_wait3A_73 = arith.constant 0 : i32
    %dma_wait3A_74 = tpu.memref_slice %arg3[%dma_wait3A_73] : memref<106496000xf32, #tpu.memory_space<hbm>> -> memref<106496000xf32, #tpu.memory_space<hbm>>
    tpu.wait_indirect_dma semaphore(%arg7 : memref<!tpu.dma_semaphore, #tpu.memory_space<semaphore_mem>>) src(%arg5 : memref<128xf32, #tpu.memory_space<vmem>>) dst(%dma_wait3A_74 : memref<106496000xf32, #tpu.memory_space<hbm>>)
    %dma_wait3A_75 = arith.constant 0 : i32
    %dma_wait3A_76 = arith.constant 0 : i32
    %dma_wait3A_77 = tpu.memref_slice %arg6[%dma_wait3A_75, %dma_wait3A_76] : memref<6x128xi32, #tpu.memory_space<vmem>> -> memref<1x128xi32, #tpu.memory_space<vmem>>
    %dma_wait3A_78 = tpu.memref_squeeze %dma_wait3A_77 : memref<1x128xi32, #tpu.memory_space<vmem>> -> memref<128xi32, #tpu.memory_space<vmem>>
    %dma_wait3A_79 = arith.constant 0 : i32
    %dma_wait3A_80 = tpu.memref_slice %arg3[%dma_wait3A_79] : memref<106496000xf32, #tpu.memory_space<hbm>> -> memref<106496000xf32, #tpu.memory_space<hbm>>
    tpu.wait_indirect_dma semaphore(%arg7 : memref<!tpu.dma_semaphore, #tpu.memory_space<semaphore_mem>>) src(%arg5 : memref<128xf32, #tpu.memory_space<vmem>>) dst(%dma_wait3A_80 : memref<106496000xf32, #tpu.memory_space<hbm>>)
    %dma_wait3A_81 = arith.constant 0 : i32
    %dma_wait3A_82 = arith.constant 0 : i32
    %dma_wait3A_83 = tpu.memref_slice %arg6[%dma_wait3A_81, %dma_wait3A_82] : memref<6x128xi32, #tpu.memory_space<vmem>> -> memref<1x128xi32, #tpu.memory_space<vmem>>
    %dma_wait3A_84 = tpu.memref_squeeze %dma_wait3A_83 : memref<1x128xi32, #tpu.memory_space<vmem>> -> memref<128xi32, #tpu.memory_space<vmem>>
    %dma_wait3A_85 = arith.constant 0 : i32
    %dma_wait3A_86 = tpu.memref_slice %arg3[%dma_wait3A_85] : memref<106496000xf32, #tpu.memory_space<hbm>> -> memref<106496000xf32, #tpu.memory_space<hbm>>
    tpu.wait_indirect_dma semaphore(%arg7 : memref<!tpu.dma_semaphore, #tpu.memory_space<semaphore_mem>>) src(%arg5 : memref<128xf32, #tpu.memory_space<vmem>>) dst(%dma_wait3A_86 : memref<106496000xf32, #tpu.memory_space<hbm>>)
    return
  }
}

module attributes {stable_mosaic.version = 14 : i64} {
  func.func @_tc_block(%arg0: i32, %arg1: memref<1x26x128xi32, #tpu.memory_space<vmem>>, %arg2: memref<26x125x1x8x128xf32, #tpu.memory_space<vmem>>) attributes {dimension_semantics = [#tpu.dimension_semantics<arbitrary>], iteration_bounds = array<i64: 32>, scalar_prefetch = 0 : i64, scratch_operands = 0 : i64, tpu.core_type = #tpu.core_type<tc>, window_params = [{transform_indices = @transform_0, window_bounds = array<i64: 1, 26, 128>}, {transform_indices = @transform_1, window_bounds = array<i64: 26, 125, 1, 8, 128>}]} {
    %get3A = arith.constant 0 : index
    %get3A_0 = arith.constant 0 : index
    %get3A_1 = arith.constant 0 : index
    %get3A_2 = vector.load %arg1[%get3A, %get3A_0, %get3A_1] : memref<1x26x128xi32, #tpu.memory_space<vmem>>, vector<1x26x128xi32>
    %get3A_3 = vector.shape_cast %get3A_2 : vector<1x26x128xi32> to vector<26x128xi32>
    %iota3A = tpu.iota {dimensions = array<i32: 1>} : vector<26x125x1x8x128xi32>
    %mul3A = arith.constant 8 : i32
    %mul3A_4 = vector.broadcast %mul3A : i32 to vector<26x125x1x8x128xi32>
    %mul3A_5 = arith.muli %iota3A, %mul3A_4 : vector<26x125x1x8x128xi32>
    %iota3A_6 = tpu.iota {dimensions = array<i32: 3>} : vector<26x125x1x8x128xi32>
    %add3A = arith.addi %mul3A_5, %iota3A_6 : vector<26x125x1x8x128xi32>
    %iota3A_7 = tpu.iota {dimensions = array<i32: 0>} : vector<26x125x1x8x128xi32>
    %broadcast_in_dim3A = vector.shape_cast %get3A_3 : vector<26x128xi32> to vector<26x1x1x1x128xi32>
    %eq3A = vector.broadcast %broadcast_in_dim3A : vector<26x1x1x1x128xi32> to vector<26x125x1x8x128xi32>
    %eq3A_8 = arith.cmpi eq, %eq3A, %add3A : vector<26x125x1x8x128xi32>
    %lt3A = arith.constant 20 : i32
    %lt3A_9 = vector.broadcast %lt3A : i32 to vector<26x125x1x8x128xi32>
    %lt3A_10 = arith.cmpi slt, %iota3A_7, %lt3A_9 : vector<26x125x1x8x128xi32>
    %and3A = arith.andi %eq3A_8, %lt3A_10 : vector<26x125x1x8x128xi1>
    %convert_element_type3A = arith.extui %and3A : vector<26x125x1x8x128xi1> to vector<26x125x1x8x128xi32>
    %convert_element_type3A_11 = arith.sitofp %convert_element_type3A : vector<26x125x1x8x128xi32> to vector<26x125x1x8x128xf32>
    %swap3A = arith.constant 0 : index
    %swap3A_12 = arith.constant 0 : index
    %swap3A_13 = arith.constant 0 : index
    %swap3A_14 = arith.constant 0 : index
    %swap3A_15 = arith.constant 0 : index
    %swap3A_16 = vector.load %arg2[%swap3A, %swap3A_12, %swap3A_13, %swap3A_14, %swap3A_15] : memref<26x125x1x8x128xf32, #tpu.memory_space<vmem>>, vector<26x125x1x8x128xf32>
    tpu.vector_store %arg2[%swap3A, %swap3A_12, %swap3A_13, %swap3A_14, %swap3A_15], %convert_element_type3A_11 {strides = array<i32>} : memref<26x125x1x8x128xf32, #tpu.memory_space<vmem>>, vector<26x125x1x8x128xf32>,
    return
  }
  func.func @transform_0(%arg0: i32) -> (i32, i32, i32) {
    %c0_i32 = arith.constant 0 : i32
    %c0_i32_0 = arith.constant 0 : i32
    %c0_i32_1 = arith.constant 0 : i32
    return %arg0, %c0_i32, %c0_i32_0 : i32, i32, i32
  }
  func.func @transform_1(%arg0: i32) -> (i32, i32, i32, i32, i32) {
    %c0_i32 = arith.constant 0 : i32
    %c0_i32_0 = arith.constant 0 : i32
    %c0_i32_1 = arith.constant 0 : i32
    %c0_i32_2 = arith.constant 0 : i32
    %c0_i32_3 = arith.constant 0 : i32
    return %c0_i32, %c0_i32_0, %arg0, %c0_i32_1, %c0_i32_2 : i32, i32, i32, i32, i32
  }
}

</mosaic_0001>

<sc_bundles>
// kernel: kernel.4.cloned.1.call-start
scs
__scs_entry_jumppad:
0x0: {  	(pc) =	sbr.rel $0x88, $3  }
0x1: {  	(tag) =	ssettag $0x0;
	lr =	simm.s32 $0x1  }
0x2: {  	[smem:$0x3FA0] =	sst lr;
	_ =	strace $0xD0000000  }
0x3: {  	_ = 	snop  }
0x4: {  	_ = 	snop  }
0x5: {  	_ = 	snop  }
0x6: {  	_ = 	snop  }
0x7: {  	_ = 	snop  }
__scs_overlays_trampoline_lowered:
0x8: {  	[smem:$0x3FAF] =	sst s0  }
0x9: {  	[smem:$0x3FB0] =	sst s1  }
0xa: {  	[smem:$0x3FB1] =	sst s2  }
0xb: {  	[smem:$0x3FB2] =	sst s3  }
0xc: {  	[smem:$0x3FB3] =	sst s4  }
0xd: {  	[smem:$0x3FB4] =	sst s5  }
0xe: {  	[smem:$0x3FB5] =	sst s6  }
0xf: {  	[smem:$0x3FB6] =	sst s7  }
0x10: {  	[smem:$0x3FB7] =	sst s8  }
0x11: {  	[smem:$0x3FB8] =	sst s9;
	s0 =	simm.s32 @!p0 $0x0  }
0x12: {  	s1 =	sld [smem:$0x3F9E];
	s0 =	simm.s32 @p0 $0x1  }
0x13: {  	[smem:$0x3FB9] =	sst s0;
	s0 =	simm.s32 @!p1 $0x0  }
0x14: {  	s2 =	sld [smem:$0x3F9D];
	s0 =	simm.s32 @p1 $0x1  }
0x15: {  	[smem:$0x3FBA] =	sst s0;
	s0 =	simm.s32 @!p2 $0x0  }
0x16: {  	s3 =	sld [smem:$0x3FDB];
	s0 =	simm.s32 @p2 $0x1  }
0x17: {  	s4 =	simm.s32 $0x1BF5;
	[smem:$0x3FBC] =	sst s0  }
0x18: {  	s0 =	sld [smem:$0x3F9F];
	_ =	swait.ge [sflag:s4], $0x0  }
0x19: {  	s7 =	sld [smem:$0x3FA0]  }
0x1a: {  	s8 =	sadd.s32 $0xFFFFE003, lr  }
0x1b: {  	s9 =	sadd.s32 $0xFFFFFEF7, lr;
	s5 =	simm.s32 $0xFFFFFFFF;
	p2 =	slt.u32 s8, $0xFFFFF086  }
0x1c: {  	p1 =	slt.u32 s9, $0xF7A;
	s5 =	simm.s32 @!p2 $0x0  }
0x1d: {  	s5 =	simm.s32 @p1 $0x1;
	p0 =	seq.s32 s7, s2  }
0x1e: {  	s7 =	smul.u32 @!p0 $0xF7A, s2;
	p2 =	seq.s32 @!p0 s5, $0x0  }
0x1f: {  	s9 =	smul.u32 $0xF7A, s1;
	s8 =	simm.s32 @!p0 $0x1BF5;
	p2 =	por !p2, p0  }
0x20: {  	[sflag:s8] =	ssyncset.s32 @!p0 $0xFFFFF086;
	s6 =	sadd.s32 @!p0 s3, s7;
	s7 =	simm.s32 @!p0 $0x108  }
0x21: {  	s3 =	sadd.s32 s3, s9;
	s6 =	sadd.s32 @!p0 $0x88, s6;
	s7 =	simm.s32 @p2 $0x1082  }
0x22: {  	[simem:s7], [sflag:s8] =	dma.local @!p0 [hbm:s6], $0xF7A  }
0x23: {  	s9 =	sor.u32 $0xD0000000, s2;
	s6 =	simm.s32 $0x108;
	_ =	swait.ge @!p0 [sflag:s8], $0x0  }
0x24: {  	s3 =	sadd.s32 $0x88, s3;
	s6 =	simm.s32 @!p1 $0x1082;
	[sflag:s4] =	ssyncset.s32 $0xFFFFF086  }
0x25: {  	[simem:s6], [sflag:s4] =	dma.local [hbm:s3], $0xF7A  }
0x26: {  	[smem:$0x3FA0] =	sst s1;
	(tag) =	ssettag s2;
	_ =	strace s9  }
0x27: {  	s1 =	sld [smem:$0x3FB0]  }
0x28: {  	s2 =	sld [smem:$0x3FB1]  }
0x29: {  	s4 =	sld [smem:$0x3FB3]  }
0x2a: {  	p0 =	seq.s32 s5, $0x0;
	s5 =	sld [smem:$0x3FB4]  }
0x2b: {  	s6 =	sld [smem:$0x3FB5]  }
0x2c: {  	s7 =	sld [smem:$0x3FB6]  }
0x2d: {  	s3 =	simm.s32 $0x108;
	s8 =	sld [smem:$0x3FB7]  }
0x2e: {  	s3 =	simm.s32 @!p0 $0x1082;
	s9 =	sld [smem:$0x3FB8]  }
0x2f: {  	lr =	sadd.s32 s0, s3;
	s0 =	sld [smem:$0x3FAF]  }
0x30: {  	s3 =	sld [smem:$0x3FB2]  }
0x31: {  	[smem:$0x3FBB] =	sst s10  }
0x32: {  	s10 =	sld [smem:$0x3FB9];
	_ =	sdelay $0x3  }
0x33: {  	p0 =	seq.s32 s10, $0x1;
	s10 =	sld [smem:$0x3FBB];
	_ =	sdelay $0x3  }
0x34: {  	[smem:$0x3FBB] =	sst s10  }
0x35: {  	s10 =	sld [smem:$0x3FBA];
	_ =	sdelay $0x3  }
0x36: {  	p1 =	seq.s32 s10, $0x1;
	s10 =	sld [smem:$0x3FBB];
	_ =	sdelay $0x3  }
0x37: {  	[smem:$0x3FBB] =	sst s10  }
0x38: {  	s10 =	sld [smem:$0x3FBC]  }
0x39: {  	_ = 	snop;
	(pc) =	sbr.ind lr, $3  }
0x3a: {  	_ = 	snop  }
0x3b: {  	_ = 	snop  }
0x3c: {  	p2 =	seq.s32 s10, $0x1;
	s10 =	sld [smem:$0x3FBB]  }
0x3d: {  	_ =	shalt  }
0x3e: {  	_ =	shalt  }
0x3f: {  	_ =	shalt  }
0x40: {  	_ =	shalt  }
0x41: {  	_ =	shalt  }
0x42: {  	_ =	shalt  }
0x43: {  	_ =	shalt  }
0x44: {  	_ =	shalt  }
0x45: {  	_ =	shalt  }
0x46: {  	_ =	shalt  }
0x47: {  	_ =	shalt  }
0x48: {  	_ =	shalt  }
0x49: {  	_ =	shalt  }
0x4a: {  	_ =	shalt  }
0x4b: {  	_ =	shalt  }
0x4c: {  	_ =	shalt  }
0x4d: {  	_ =	shalt  }
0x4e: {  	_ =	shalt  }
0x4f: {  	_ =	shalt  }
0x50: {  	_ =	shalt  }
0x51: {  	_ =	shalt  }
0x52: {  	_ =	shalt  }
0x53: {  	_ =	shalt  }
0x54: {  	_ =	shalt  }
0x55: {  	_ =	shalt  }
0x56: {  	_ =	shalt  }
0x57: {  	_ =	shalt  }
0x58: {  	_ =	shalt  }
0x59: {  	_ =	shalt  }
0x5a: {  	_ =	shalt  }
0x5b: {  	_ =	shalt  }
0x5c: {  	_ =	shalt  }
0x5d: {  	_ =	shalt  }
0x5e: {  	_ =	shalt  }
0x5f: {  	_ =	shalt  }
0x60: {  	_ =	shalt  }
0x61: {  	_ =	shalt  }
0x62: {  	_ =	shalt  }
0x63: {  	_ =	shalt  }
0x64: {  	_ =	shalt  }
0x65: {  	_ =	shalt  }
0x66: {  	_ =	shalt  }
0x67: {  	_ =	shalt  }
0x68: {  	_ =	shalt  }
0x69: {  	_ =	shalt  }
0x6a: {  	_ =	shalt  }
0x6b: {  	_ =	shalt  }
0x6c: {  	_ =	shalt  }
0x6d: {  	_ =	shalt  }
0x6e: {  	_ =	shalt  }
0x6f: {  	_ =	shalt  }
0x70: {  	_ =	shalt  }
0x71: {  	_ =	shalt  }
0x72: {  	_ =	shalt  }
0x73: {  	_ =	shalt  }
0x74: {  	_ =	shalt  }
0x75: {  	_ =	shalt  }
0x76: {  	_ =	shalt  }
0x77: {  	_ =	shalt  }
0x78: {  	_ =	shalt  }
0x79: {  	_ =	shalt  }
0x7a: {  	_ =	shalt  }
0x7b: {  	_ =	shalt  }
0x7c: {  	_ =	shalt  }
0x7d: {  	_ =	shalt  }
0x7e: {  	_ =	shalt  }
0x7f: {  	_ =	shalt  }
0x80: {  	_ =	shalt  }
0x81: {  	_ =	shalt  }
0x82: {  	_ =	shalt  }
0x83: {  	_ =	shalt  }
0x84: {  	_ =	shalt  }
0x85: {  	_ =	shalt  }
0x86: {  	_ =	shalt  }
0x87: {  	_ =	shalt  }
.Lfunc_end0:
.L_simem_size_0:
called_computation_lowered:
.L_overlay_start_0:
0x88: {  	s2 =	sld [smem:$0x3FD9]  }
0x89: {  	s3 =	sld [smem:$0x3FFE];
	_ =	sdelay $0x1  }
0x8a: {  	s1 =	srdreg.scid  }
0x8b: {  	s0 =	sand.u32 $0x1, s1  }
0x8c: {  	s17 =	sshll.u32 s0, $0xA;
	s2 =	sadd.s32 s3, s2  }
0x8d: {  	s2 =	sadd.s32 s2, s17  }
0x8e: {  	[smem:$0x3FC7] =	sst s2  }
0x8f: {  	_ = 	snop  }
0x90: {  	s2 =	sld [smem:$0x3FD0];
	(tm) =	ssettm $0x1  }
0x91: {  	s18 =	sld [smem:$0x3FFB];
	_ =	sdelay $0x3  }
0x92: {  	_ =	strace s18  }
0x93: {  	s3 =	sld [smem:$0x3FFC];
	_ =	sdelay $0x3  }
0x94: {  	_ =	strace s3  }
0x95: {  	s3 =	sld [smem:$0x3FFD];
	_ =	sdelay $0x3  }
0x96: {  	_ =	strace s3  }
0x97: {  	_ =	strace $0x8FFFFFFF  }
0x98: {  	s19 =	sld [smem:$0x3FDB];
	_ =	sdelay $0x1  }
0x99: {  	s4 =	simm.s32 $_scs_section_size  }
0x9a: {  	s5 =	simm.s32 $_size__tile_overlayer_lowered;
	s6 =	simm.s32 $_tile_overlayer_lowered  }
0x9b: {  	s22 =	simm.s32 $0x1BFF;
	s21 =	sshll.u32 s6, $0x1;
	s3 =	sadd.s32 s4, s19  }
0x9c: {  	s7 =	simm.s32 $0x0;
	s20 =	sshll.u32 s5, $0x1;
	s5 =	sadd.s32 s21, s3  }
0x9d: {  	[timem:s7], [sflag:s22] =	dma.local [hbm:s5], s20  }
0x9e: {  	_ =	swait.ge [sflag:s22], s20  }
0x9f: {  	s4 =	ssub.s32 $0x0, s20;
	[sflag:s22] =	ssyncset.done $0x0  }
0xa0: {  	[sflag:s22] =	ssyncadd.s32 s4;
	_ =	sdelay $0x1  }
0xa1: {  	s23 =	simm.s32 $0x1B8B  }
0xa2: {  	_ =	swait.ge [sflag:s23], $0x1  }
0xa3: {  	[sflag:s23] =	ssyncset.done $0x0  }
0xa4: {  	s25 =	simm.s32 $0x1B8E;
	s24 =	sld [smem:$0x3FFE];
	[sflag:s23] =	ssyncadd.s32 $0xFFFFFFFF  }
0xa5: {  	s26 =	simm.s32 $execute0_lowered;
	[smem:$0x3FD2] =	sst s25  }
0xa6: {  	s5 =	sshll.u32 s26, $0x1;
	_ =	strace $0x80000046;
	[dreg:$0x1] =	wrdreg $0xFFFFFFFF  }
0xa7: {  	s28 =	simm.s32 $_size_execute0_lowered;
	s3 =	sadd.s32 s3, s5;
	[dreg:$0x0] =	wrdreg $0x0  }
0xa8: {  	s5 =	sshll.u32 s28, $0x1;
	[dreg:$0x2] =	wrdreg s3  }
0xa9: {  	[dreg:$0x3] =	wrdreg s5  }
0xaa: {  	[dreg:$0x4] =	wrdreg $0xC0  }
0xab: {  	_ =	task [dreg:s7], $0x5FFFF  }
0xac: {  	[dreg:$0x1] =	wrdreg $0xFFFFFFFF  }
0xad: {  	[dreg:$0x0] =	wrdreg $0x60  }
0xae: {  	[dreg:$0x2] =	wrdreg s24  }
0xaf: {  	[dreg:$0x3] =	wrdreg s2  }
0xb0: {  	[dreg:$0x4] =	wrdreg $0x9  }
0xb1: {  	_ =	task.clear_ibuf [dreg:s7], $0x5FFFF;
	_ =	strace $0x90000046  }
0xb2: {  	s29 =	simm.s32 $0x9;
	_ =	strace $0x80000048  }
0xb3: {  	_ =	swait.ge [sflag:s29], $0x1  }
0xb4: {  	[sflag:s29] =	ssyncadd.s32 $0xFFFFFFFF  }
0xb5: {  	_ =	strace $0x90000048  }
0xb6: {  	_ =	sfence  }
0xb7: {  	s30 =	sld [smem:$0x0];
	_ =	sdelay $0x2  }
0xb8: {  	s31 =	sshll.u32 s1, $0xD;
	s1 =	sshrl.u32 s1, $0x2  }
0xb9: {  	s3 =	sand.u32 $0x4000, s31;
	s1 =	sadd.s32 s1, s30  }
0xba: {  	s0 =	sor.u32 s3, s0;
	s1 =	sshll.u32 s1, $0x11  }
0xbb: {  	s0 =	sor.u32 s1, s0  }
0xbc: {  	s0 =	sadd.s32 $0x8F2B, s0  }
0xbd: {  	[sflag:s0] =	ssyncadd.remote.s32 $0x1  }
0xbe: {  	_ =	sfence.sel $0xFFFF  }
0xbf: {  	[dreg:$0x0] =	wrdreg $0xFFFFFFFF;
	(pc) =	sbr.abs _section_cstart, $3  }
0xc0: {  	[dreg:$0x1] =	wrdreg $0xFFFFFFFF  }
0xc1: {  	_ =	task.clear_ibuf [dreg:s7], $0x2FFFF;
	_ =	strace $0x9FFFFFFF  }
0xc2: {  	(tm) =	ssettm $0x7FFFFFFF  }
0xc3: {  	_ =	shalt  }
tec
execute0_lowered:
.L_overlay_start_1:
0x0: {  	(tag) =	ssettag $0x1  }
0x1: {  	s0 =	srdreg.scid  }
0x2: {  	s13 =	sand.u32 $0x1, s0  }
0x3: {  	s0 =	stileid.u32;
	s1 =	sshll.u32 s13, $0x4  }
0x4: {  	s4 =	rddreg [dreg:$0x0];
	s5 =	sor.u32 s0, s1  }
0x5: {  	s2 =	rddreg [dreg:$0x1];
	s3 =	simm.s32 $0x0;
	s5 =	smul.u32 $0x60, s5  }
0x6: {  	[smem:$0x7FF] =	sst s3  }
0x7: {  	s6 =	simm.s32 $0x2;
	s1 =	rddreg [dreg:$0x2];
	s4 =	sadd.s32 s5, s4  }
0x8: {  	_ =	strace $0x80000047;
	s5 =	simm.s32 $0x80;
	s4 =	sadd.s32 $0x600, s4  }
0x9: {  	[tilespmem:s5], [sflag:$0x2] =	stream.linear.gather [hbm4b:s4+s3], $0x300, $0x38;
	[tilespmem:$0x380] =	vst v63  }
0xa: {  	_ =	swait.ge [sflag:s6], $0x300  }
0xb: {  	[sflag:s6] =	ssyncset.done $0x0  }
0xc: {  	v0 =	vimm.f32 $1.000000000e+00;
	[sflag:s6] =	ssyncadd.s32 $0xFFFFFD00  }
0xd: {  	[tilespmem:$0x70] =	vst v0  }
0xe: {  	[tilespmem:$0x60] =	vst v0  }
0xf: {  	[tilespmem:$0x50] =	vst v0  }
0x10: {  	[tilespmem:$0x40] =	vst v0  }
0x11: {  	[tilespmem:$0x30] =	vst v0  }
0x12: {  	[tilespmem:$0x20] =	vst v0  }
0x13: {  	[tilespmem:$0x0] =	vst v0  }
0x14: {  	[tilespmem:$0x10] =	vst v0  }
0x15: {  	[hbm4b:s2+s5] =	stream.indirect.scatter [tilespmem:s3], [sflag:$0x1], $0x1, s5, s5, $0xb8;
	[tilespmem:$0x380] =	vst v63  }
0x16: {  	s7 =	simm.s32 $0x100  }
0x17: {  	[hbm4b:s2+s5] =	stream.indirect.scatter [tilespmem:s3], [sflag:$0x1], $0x1, s7, s5, $0xb8;
	[tilespmem:$0x380] =	vst v63  }
0x18: {  	s9 =	simm.s32 $0x180  }
0x19: {  	[hbm4b:s2+s5] =	stream.indirect.scatter [tilespmem:s3], [sflag:$0x1], $0x1, s9, s5, $0xb8;
	[tilespmem:$0x380] =	vst v63  }
0x1a: {  	s10 =	simm.s32 $0x200  }
0x1b: {  	[hbm4b:s2+s5] =	stream.indirect.scatter [tilespmem:s3], [sflag:$0x1], $0x1, s10, s5, $0xb8;
	[tilespmem:$0x380] =	vst v63  }
0x1c: {  	s11 =	simm.s32 $0x280  }
0x1d: {  	[hbm4b:s2+s5] =	stream.indirect.scatter [tilespmem:s3], [sflag:$0x1], $0x1, s11, s5, $0xb8;
	[tilespmem:$0x380] =	vst v63  }
0x1e: {  	s12 =	simm.s32 $0x300;
	s8 =	simm.s32 $0x1  }
0x1f: {  	[hbm4b:s2+s5] =	stream.indirect.scatter [tilespmem:s3], [sflag:$0x1], $0x1, s12, s5, $0xb8;
	[tilespmem:$0x380] =	vst v63  }
0x20: {  	s13 =	ssub.s32 $0x2, s13;
	_ =	swait.ge [sflag:s8], $0x80  }
0x21: {  	s14 =	sshrl.u32 s13, $0x1;
	[sflag:s8] =	ssyncset.done $0x0  }
0x22: {  	s13 =	ssub.s32 s13, s14;
	[sflag:s8] =	ssyncadd.s32 $0xFFFFFF80  }
0x23: {  	s13 =	smax.u32 s13, $0x1;
	_ =	swait.ge [sflag:s8], $0x80  }
0x24: {  	p0 =	sne.s32 s13, $0x1;
	[sflag:s8] =	ssyncset.done $0x0  }
.Ltmp0:
0x25: {  	[sflag:s8] =	ssyncadd.s32 $0xFFFFFF80;
	(pc) =	sbr.rel @!p0 .LBB2_2-.Ltmp0, $4  }
0x26: {  	_ =	swait.ge [sflag:s8], $0x80  }
0x27: {  	[sflag:s8] =	ssyncset.done $0x0  }
0x28: {  	[sflag:s8] =	ssyncadd.s32 $0xFFFFFF80  }
0x29: {  	s13 =	sadd.s32 $0xFFFFFFFF, s13;
	_ =	swait.ge [sflag:s8], $0x80  }
.LBB2_1:
0x2a: {  	p0 =	sne.s32 s13, $0x1;
	s13 =	sadd.s32 $0xFFFFFFFF, s13;
	[sflag:s8] =	ssyncset.done $0x0  }
0x2b: {  	[sflag:s8] =	ssyncadd.s32 $0xFFFFFF80  }
0x2c: {  	_ =	swait.ge [sflag:s8], $0x80  }
0x2d: {  	[sflag:s8] =	ssyncset.done $0x0  }
0x2e: {  	[sflag:s8] =	ssyncadd.s32 $0xFFFFFF80  }
0x2f: {  	_ =	swait.ge [sflag:s8], $0x80  }
0x30: {  	[sflag:s8] =	ssyncset.done $0x0  }
0x31: {  	[sflag:s8] =	ssyncadd.s32 $0xFFFFFF80  }
0x32: {  	[tilespmem:s5], [sflag:$0x2] =	stream.linear.gather [hbm4b:s4+s3], $0x300, $0x38;
	[tilespmem:$0x380] =	vst v63  }
0x33: {  	_ =	swait.ge [sflag:s6], $0x300  }
0x34: {  	[sflag:s6] =	ssyncset.done $0x0  }
0x35: {  	[sflag:s6] =	ssyncadd.s32 $0xFFFFFD00  }
0x36: {  	[tilespmem:$0x70] =	vst v0  }
0x37: {  	[tilespmem:$0x60] =	vst v0  }
0x38: {  	[tilespmem:$0x50] =	vst v0  }
0x39: {  	[tilespmem:$0x40] =	vst v0  }
0x3a: {  	[tilespmem:$0x30] =	vst v0  }
0x3b: {  	[tilespmem:$0x20] =	vst v0  }
0x3c: {  	[tilespmem:$0x0] =	vst v0  }
0x3d: {  	[tilespmem:$0x10] =	vst v0  }
0x3e: {  	[hbm4b:s2+s5] =	stream.indirect.scatter [tilespmem:s3], [sflag:$0x1], $0x1, s5, s5, $0xb8;
	[tilespmem:$0x380] =	vst v63  }
0x3f: {  	_ = 	snop  }
0x40: {  	[hbm4b:s2+s5] =	stream.indirect.scatter [tilespmem:s3], [sflag:$0x1], $0x1, s7, s5, $0xb8;
	[tilespmem:$0x380] =	vst v63  }
0x41: {  	_ = 	snop  }
0x42: {  	[hbm4b:s2+s5] =	stream.indirect.scatter [tilespmem:s3], [sflag:$0x1], $0x1, s9, s5, $0xb8;
	[tilespmem:$0x380] =	vst v63  }
0x43: {  	_ = 	snop  }
0x44: {  	[hbm4b:s2+s5] =	stream.indirect.scatter [tilespmem:s3], [sflag:$0x1], $0x1, s10, s5, $0xb8;
	[tilespmem:$0x380] =	vst v63  }
0x45: {  	_ = 	snop  }
0x46: {  	[hbm4b:s2+s5] =	stream.indirect.scatter [tilespmem:s3], [sflag:$0x1], $0x1, s11, s5, $0xb8;
	[tilespmem:$0x380] =	vst v63  }
0x47: {  	_ = 	snop  }
0x48: {  	[hbm4b:s2+s5] =	stream.indirect.scatter [tilespmem:s3], [sflag:$0x1], $0x1, s12, s5, $0xb8;
	[tilespmem:$0x380] =	vst v63  }
0x49: {  	_ =	swait.ge [sflag:s8], $0x80  }
0x4a: {  	[sflag:s8] =	ssyncset.done $0x0  }
0x4b: {  	[sflag:s8] =	ssyncadd.s32 $0xFFFFFF80  }
0x4c: {  	_ =	swait.ge [sflag:s8], $0x80  }
0x4d: {  	[sflag:s8] =	ssyncset.done $0x0  }
.Ltmp1:
0x4e: {  	[sflag:s8] =	ssyncadd.s32 $0xFFFFFF80;
	(pc) =	sbr.rel @p0 .LBB2_1-.Ltmp1, $4  }
0x4f: {  	_ =	swait.ge [sflag:s8], $0x80  }
0x50: {  	[sflag:s8] =	ssyncset.done $0x0  }
0x51: {  	[sflag:s8] =	ssyncadd.s32 $0xFFFFFF80  }
0x52: {  	_ =	swait.ge [sflag:s8], $0x80  }
.LBB2_2:
0x53: {  	[sflag:s8] =	ssyncset.done $0x0  }
0x54: {  	[sflag:s8] =	ssyncadd.s32 $0xFFFFFF80  }
0x55: {  	_ =	swait.ge [sflag:s8], $0x80  }
0x56: {  	[sflag:s8] =	ssyncset.done $0x0  }
0x57: {  	[sflag:s8] =	ssyncadd.s32 $0xFFFFFF80  }
0x58: {  	_ =	swait.ge [sflag:s8], $0x80  }
0x59: {  	[sflag:s8] =	ssyncset.done $0x0  }
0x5a: {  	[sflag:s8] =	ssyncadd.s32 $0xFFFFFF80  }
0x5b: {  	_ =	sfence.sel $0x180000  }
0x5c: {  	[bflag:$0x0] =	sbarrier.arrive $0xFFFF  }
0x5d: {  	p0 =	sne.s32 s0, $0x0;
	_ =	strace $0x90000047  }
0x5e: {  	s0 =	sadd.s32 @!p0 $0x100000, s1;
	[bflag:$0x2] =	sbarrier.arrive $0xFFFF  }
0x5f: {  	[sflag:s0] =	ssyncadd.tile.s32 @!p0 $0x1;
	_ =	shalt  }
.Lfunc_end2:
_tile_overlayer_lowered:
.L_overlay_start_2:
0x60: {  	(tag) =	ssettag $0x2  }
0x61: {  	s0 =	rddreg [dreg:$0x0];
	s2 =	stileid.u32  }
0x62: {  	s1 =	rddreg [dreg:$0x1];
	p0 =	sne.s32 s2, $0x0  }
0x63: {  	s3 =	rddreg [dreg:$0x2];
	[bflag:$0x3] =	sbarrier.arrive $0xFFFF;
	s2 =	simm.s32 @!p0 $0x1C02  }
0x64: {  	[timem:s3], [sflag:s2] =	dma.local @!p0 [hbm:s0], s1  }
0x65: {  	s0 =	simm.s32 @!p0 $0x2  }
0x66: {  	_ =	swait.ge @!p0 [sflag:s0], s1  }
0x67: {  	s1 =	ssub.s32 @!p0 $0x0, s1;
	[sflag:s0] =	ssyncset.done @!p0 $0x0  }
0x68: {  	[sflag:s0] =	ssyncadd.s32 @!p0 s1  }
0x69: {  	[bflag:$0x3] =	sbarrier.arrive $0xFFFF  }
0x6a: {  	_ =	shalt  }

</sc_bundles>
